<compile_context>
chip_gen: v7x
topology: tpu7x:2x2x1
jax: 0.10.2.dev20260603
libtpu: 0.0.44.dev20260713+nightly
codegen_flags: <defaults>
</compile_context>

<pallas_src>
import functools

import jax
import jax.numpy as jnp
from jax import lax
from jax.experimental import pallas as pl
from jax.experimental.pallas import tpu as pltpu, tpu_sc as plsc

N = 10000
E = 160000
D = 256
DH = D // 2
NSC = 16
EPT = E // NSC
K = 80
CH = EPT // K
RPT = 624
RREM = N - NSC * RPT


def _sc_scatter_add(msgs, tgt3, zeros):
    mesh = plsc.VectorSubcoreMesh(core_axis_name="c", subcore_axis_name="s")

    @functools.partial(
        pl.kernel,
        mesh=mesh,
        out_type=jax.ShapeDtypeStruct((2, N, DH), jnp.float32),
        scratch_types=[
            pltpu.VMEM((CH, K), jnp.int32),
            pltpu.VMEM((2, K, DH), jnp.float32),
            pltpu.VMEM_SHARED((N, DH), jnp.float32),
            pltpu.SemaphoreType.DMA,
            pltpu.SemaphoreType.DMA,
        ],
    )
    def k(msgs_hbm, tgt_hbm, zeros_hbm, out_hbm, idx_v, bufs_v, acc_sh,
          gsem0, gsem1):
        c = lax.axis_index("c")
        s = lax.axis_index("s")
        col0 = pl.multiple_of(c * DH, DH)
        r0 = s * RPT
        ebase0 = s * EPT
        gsems = (gsem0, gsem1)

        def gather(j, b):
            eb = pl.multiple_of(ebase0 + j * K, 8)
            return pltpu.make_async_copy(
                msgs_hbm.at[pl.ds(eb, K), pl.ds(col0, DH)],
                bufs_v.at[b], gsems[b])

        with jax.named_scope("sc_init"):
            gather(0, 0).start()
            pltpu.sync_copy(zeros_hbm.at[pl.ds(r0, RPT), :],
                            acc_sh.at[pl.ds(r0, RPT), :])

            @pl.when(s == 0)
            def _init_rem():
                pltpu.sync_copy(zeros_hbm.at[pl.ds(NSC * RPT, RREM), :],
                                acc_sh.at[pl.ds(NSC * RPT, RREM), :])

            pltpu.sync_copy(tgt_hbm.at[s], idx_v)
            plsc.subcore_barrier()

        with jax.named_scope("sc_scatter_loop"):

            def pair_body(p, carry):
                for b in (0, 1):
                    j = 2 * p + b

                    @pl.when(j < CH)
                    def _do_chunk():
                        gather(j, b).wait()

                        @pl.when(j + 1 < CH)
                        def _prefetch():
                            gather(j + 1, 1 - b).start()

                        pltpu.sync_copy(bufs_v.at[b],
                                        acc_sh.at[idx_v.at[j]], add=True)
                return carry

            lax.fori_loop(0, (CH + 1) // 2, pair_body, 0)
            plsc.subcore_barrier()

        with jax.named_scope("sc_drain"):
            pltpu.sync_copy(acc_sh.at[pl.ds(r0, RPT), :],
                            out_hbm.at[c, pl.ds(r0, RPT), :])

            @pl.when(s == 0)
            def _drain_rem():
                pltpu.sync_copy(acc_sh.at[pl.ds(NSC * RPT, RREM), :],
                                out_hbm.at[c, pl.ds(NSC * RPT, RREM), :])

    return k(msgs, tgt3, zeros)


def _gru_update(agg2, h, W, U, b):
    NB = 2000

    def body(x_ref, h_ref, w_ref, u_ref, b_ref, o_ref):
        x = jnp.concatenate([x_ref[0], x_ref[1]], axis=-1)
        hv = h_ref[...]
        mx = jnp.dot(x, w_ref[...], preferred_element_type=jnp.float32)
        mx = mx + b_ref[0:1, :]
        mh = jnp.dot(hv, u_ref[...], preferred_element_type=jnp.float32)
        mh = mh + b_ref[1:2, :]
        z = jax.nn.sigmoid(mx[:, :D] + mh[:, :D])
        r = jax.nn.sigmoid(mx[:, D:2 * D] + mh[:, D:2 * D])
        hh = jnp.tanh(mx[:, 2 * D:] + r * mh[:, 2 * D:])
        o_ref[...] = z * hv + (1.0 - z) * hh

    return pl.pallas_call(
        body,
        grid=(N // NB,),
        in_specs=[
            pl.BlockSpec((2, NB, DH), lambda i: (0, i, 0)),
            pl.BlockSpec((NB, D), lambda i: (i, 0)),
            pl.BlockSpec((D, 3 * D), lambda i: (0, 0)),
            pl.BlockSpec((D, 3 * D), lambda i: (0, 0)),
            pl.BlockSpec((2, 3 * D), lambda i: (0, 0)),
        ],
        out_specs=pl.BlockSpec((NB, D), lambda i: (i, 0)),
        out_shape=jax.ShapeDtypeStruct((N, D), jnp.float32),
    )(agg2, h, W, U, b)


def kernel(atom_state, messages, connectivity, W, U, b):
    Bs, Ns, Ds = atom_state.shape
    Es = messages.shape[1]
    msgs = messages.reshape(Es, Ds)
    tgt = connectivity.reshape(Es, 2)[:, 1]
    tgt3 = tgt.reshape(NSC, CH, K)
    zeros = jnp.zeros((Ns, Ds // 2), jnp.float32)
    agg2 = _sc_scatter_add(msgs, tgt3, zeros)
    h_new = _gru_update(agg2, atom_state.reshape(Ns, Ds), W, U, b)
    return h_new.reshape(Bs, Ns, Ds)

# --- scband reference (transcript-rebuilt; emitter-appended) ---
"""Pipeline reference for scband-gruupdate-30726196036191 (READ-ONLY COPY).

The authoritative reference and input builder live on the scoring server;
editing this copy changes nothing except your own understanding.
"""

import jax, jax.numpy as jnp
import numpy as np

B, N, E, D = 1, 10000, 160000, 256

def setup_inputs(seed: int = 0) -> dict:
    key = jax.random.key(seed)
    ks = jax.random.split(key, 6)
    atom_state = jax.random.normal(ks[0], (B, N, D), dtype=jnp.float32)
    messages = jax.random.normal(ks[1], (B, E, D), dtype=jnp.float32)
    connectivity = jax.random.randint(ks[2], (B, E, 2), 0, N, dtype=jnp.int32)
    s = 1.0 / np.sqrt(D)
    W = jax.random.uniform(ks[3], (D, 3 * D), jnp.float32, -s, s)
    U = jax.random.uniform(ks[4], (D, 3 * D), jnp.float32, -s, s)
    b = jnp.zeros((2, 3 * D), dtype=jnp.float32)
    return {"atom_state": atom_state, "messages": messages, "connectivity": connectivity, "W": W, "U": U, "b": b}

def reference(atom_state, messages, connectivity, W, U, b):
    Bs, Ns, Ds = atom_state.shape
    # Reduce: scatter-add messages onto target atoms (tf.scatter_nd sums duplicates)
    tgt = connectivity[:, :, 1]
    batch_idx = jnp.broadcast_to(jnp.arange(Bs, dtype=jnp.int32)[:, None], tgt.shape)
    aggregated = jnp.zeros((Bs, Ns, Ds), dtype=messages.dtype).at[batch_idx, tgt].add(messages)
    # GRU update: h' = GRU(h=atom_state, x=aggregated), single timestep
    # Keras GRU defaults: reset_after=True, activation=tanh, recurrent_activation=sigmoid
    x = aggregated.reshape(Bs * Ns, Ds)
    h = atom_state.reshape(Bs * Ns, Ds)
    mx = x @ W + b[0]
    mh = h @ U + b[1]
    x_z, x_r, x_h = jnp.split(mx, 3, axis=-1)
    r_z, r_r, r_h = jnp.split(mh, 3, axis=-1)
    z = jax.nn.sigmoid(x_z + r_z)
    r = jax.nn.sigmoid(x_r + r_r)
    hh = jnp.tanh(x_h + r * r_h)
    h_new = z * h + (1.0 - z) * hh
    return h_new.reshape(Bs, Ns, Ds)

if __name__ == "__main__":
    import jax
    _d = setup_inputs()
    print(jax.jit(kernel)(*tuple(_d.values())))

</pallas_src>

<mosaic_0001>
#map = affine_map<(d0, d1) -> (0, 0)>
#map1 = affine_map<(d0, d1) -> (0, 0, 0)>
module attributes {stable_mosaic.version = 14 : i64} {
  func.func @k(%arg0: i32, %arg1: i32, %arg2: memref<160000x256xf32, #tpu.memory_space<hbm>>, %arg3: memref<16x125x80xi32, #tpu.memory_space<hbm>>, %arg4: memref<10000x128xf32, #tpu.memory_space<hbm>>, %arg5: memref<2x10000x128xf32, #tpu.memory_space<hbm>>, %arg6: memref<125x80xi32, #tpu.memory_space<vmem>>, %arg7: memref<2x80x128xf32, #tpu.memory_space<vmem>>, %arg8: memref<10000x128xf32, #tpu.memory_space<vmem_shared>>, %arg9: memref<!tpu.dma_semaphore, #tpu.memory_space<semaphore_mem>>, %arg10: memref<!tpu.dma_semaphore, #tpu.memory_space<semaphore_mem>>) attributes {dimension_semantics = [#tpu.dimension_semantics<core_parallel>, #tpu.dimension_semantics<subcore_parallel>], iteration_bounds = array<i64: 2, 16>, scalar_prefetch = 0 : i64, scratch_operands = 5 : i64, tpu.core_type = #tpu.core_type<sc_vector_subcore>, window_params = [{transform_indices = #map}, {transform_indices = #map1}, {transform_indices = #map}, {transform_indices = #map1}]} {
    %mul3A = arith.constant 128 : i32
    %mul3A_0 = arith.muli %arg0, %mul3A : i32
    %multiple_of3A = tpu.assume_multiple %mul3A_0, 128 : i32
    %mul3A_1 = arith.constant 624 : i32
    %mul3A_2 = arith.muli %arg1, %mul3A_1 : i32
    %mul3A_3 = arith.constant 10000 : i32
    %mul3A_4 = arith.muli %arg1, %mul3A_3 : i32
    "tpu.trace_start"() <{level = 10 : i32, message = "sc_init"}> : () -> ()
    %add3A = arith.constant 0 : i32
    %add3A_5 = arith.addi %mul3A_4, %add3A : i32
    %multiple_of3A_6 = tpu.assume_multiple %add3A_5, 8 : i32
    %dma_start3A = arith.constant 0 : i32
    %dma_start3A_7 = arith.constant 0 : i32
    %dma_start3A_8 = arith.constant 0 : i32
    %dma_start3A_9 = tpu.memref_slice %arg7[%dma_start3A, %dma_start3A_7, %dma_start3A_8] : memref<2x80x128xf32, #tpu.memory_space<vmem>> -> memref<1x80x128xf32, #tpu.memory_space<vmem>>
    %dma_start3A_10 = tpu.memref_squeeze %dma_start3A_9 : memref<1x80x128xf32, #tpu.memory_space<vmem>> -> memref<80x128xf32, #tpu.memory_space<vmem>>
    %dma_start3A_11 = tpu.memref_slice %arg2[%multiple_of3A_6, %multiple_of3A] : memref<160000x256xf32, #tpu.memory_space<hbm>> -> memref<80x128xf32, #tpu.memory_space<hbm>>
    %dma_start3A_12 = arith.constant 0 : i32
    %dma_start3A_13 = arith.constant 0 : i32
    %dma_start3A_14 = tpu.memref_slice %arg7[%dma_start3A, %dma_start3A_12, %dma_start3A_13] : memref<2x80x128xf32, #tpu.memory_space<vmem>> -> memref<1x80x128xf32, #tpu.memory_space<vmem>>
    %dma_start3A_15 = tpu.memref_squeeze %dma_start3A_14 : memref<1x80x128xf32, #tpu.memory_space<vmem>> -> memref<80x128xf32, #tpu.memory_space<vmem>>
    %dma_start3A_16 = tpu.memref_slice %arg2[%multiple_of3A_6, %multiple_of3A] : memref<160000x256xf32, #tpu.memory_space<hbm>> -> memref<80x128xf32, #tpu.memory_space<hbm>>
    tpu.enqueue_dma source(%dma_start3A_16 : memref<80x128xf32, #tpu.memory_space<hbm>>) target(%dma_start3A_15 : memref<80x128xf32, #tpu.memory_space<vmem>>) target_semaphore(%arg9 : memref<!tpu.dma_semaphore, #tpu.memory_space<semaphore_mem>>)
    "tpu.region"() ({
      %run_scoped3A = tpu.sem_alloc : memref<!tpu.dma_semaphore, #tpu.memory_space<semaphore_mem>>
      %dma_start3A_30 = arith.constant 0 : i32
      %dma_start3A_31 = tpu.memref_slice %arg8[%mul3A_2, %dma_start3A_30] : memref<10000x128xf32, #tpu.memory_space<vmem_shared>> -> memref<624x128xf32, #tpu.memory_space<vmem_shared>>
      %dma_start3A_32 = arith.constant 0 : i32
      %dma_start3A_33 = tpu.memref_slice %arg4[%mul3A_2, %dma_start3A_32] : memref<10000x128xf32, #tpu.memory_space<hbm>> -> memref<624x128xf32, #tpu.memory_space<hbm>>
      tpu.enqueue_dma source(%dma_start3A_33 : memref<624x128xf32, #tpu.memory_space<hbm>>) target(%dma_start3A_31 : memref<624x128xf32, #tpu.memory_space<vmem_shared>>) target_semaphore(%run_scoped3A : memref<!tpu.dma_semaphore, #tpu.memory_space<semaphore_mem>>)
      %dma_wait3A = arith.constant 0 : i32
      %dma_wait3A_34 = tpu.memref_slice %arg8[%mul3A_2, %dma_wait3A] : memref<10000x128xf32, #tpu.memory_space<vmem_shared>> -> memref<624x128xf32, #tpu.memory_space<vmem_shared>>
      %dma_wait3A_35 = arith.constant 0 : i32
      %dma_wait3A_36 = tpu.memref_slice %arg4[%mul3A_2, %dma_wait3A_35] : memref<10000x128xf32, #tpu.memory_space<hbm>> -> memref<624x128xf32, #tpu.memory_space<hbm>>
      tpu.wait_dma2 semaphore(%run_scoped3A : memref<!tpu.dma_semaphore, #tpu.memory_space<semaphore_mem>>) src(%dma_wait3A_36 : memref<624x128xf32, #tpu.memory_space<hbm>>) dst(%dma_wait3A_34 : memref<624x128xf32, #tpu.memory_space<vmem_shared>>)
      tpu.yield
    }) : () -> ()
    %eq3A = arith.constant 0 : i32
    %eq3A_17 = arith.cmpi eq, %arg1, %eq3A : i32
    %convert_element_type3A = arith.extui %eq3A_17 : i1 to i32
    %cond3A = arith.constant 0 : i32
    %cond3A_18 = arith.cmpi ne, %convert_element_type3A, %cond3A : i32
    scf.if %cond3A_18 {
      "tpu.region"() ({
        %run_scoped3A = tpu.sem_alloc : memref<!tpu.dma_semaphore, #tpu.memory_space<semaphore_mem>>
        %dma_start3A_30 = arith.constant 9984 : i32
        %dma_start3A_31 = arith.constant 0 : i32
        %dma_start3A_32 = tpu.memref_slice %arg8[%dma_start3A_30, %dma_start3A_31] : memref<10000x128xf32, #tpu.memory_space<vmem_shared>> -> memref<16x128xf32, #tpu.memory_space<vmem_shared>>
        %dma_start3A_33 = arith.constant 9984 : i32
        %dma_start3A_34 = arith.constant 0 : i32
        %dma_start3A_35 = tpu.memref_slice %arg4[%dma_start3A_33, %dma_start3A_34] : memref<10000x128xf32, #tpu.memory_space<hbm>> -> memref<16x128xf32, #tpu.memory_space<hbm>>
        tpu.enqueue_dma source(%dma_start3A_35 : memref<16x128xf32, #tpu.memory_space<hbm>>) target(%dma_start3A_32 : memref<16x128xf32, #tpu.memory_space<vmem_shared>>) target_semaphore(%run_scoped3A : memref<!tpu.dma_semaphore, #tpu.memory_space<semaphore_mem>>)
        %dma_wait3A = arith.constant 9984 : i32
        %dma_wait3A_36 = arith.constant 0 : i32
        %dma_wait3A_37 = tpu.memref_slice %arg8[%dma_wait3A, %dma_wait3A_36] : memref<10000x128xf32, #tpu.memory_space<vmem_shared>> -> memref<16x128xf32, #tpu.memory_space<vmem_shared>>
        %dma_wait3A_38 = arith.constant 9984 : i32
        %dma_wait3A_39 = arith.constant 0 : i32
        %dma_wait3A_40 = tpu.memref_slice %arg4[%dma_wait3A_38, %dma_wait3A_39] : memref<10000x128xf32, #tpu.memory_space<hbm>> -> memref<16x128xf32, #tpu.memory_space<hbm>>
        tpu.wait_dma2 semaphore(%run_scoped3A : memref<!tpu.dma_semaphore, #tpu.memory_space<semaphore_mem>>) src(%dma_wait3A_40 : memref<16x128xf32, #tpu.memory_space<hbm>>) dst(%dma_wait3A_37 : memref<16x128xf32, #tpu.memory_space<vmem_shared>>)
        tpu.yield
      }) : () -> ()
    } else {
    }
    "tpu.region"() ({
      %run_scoped3A = tpu.sem_alloc : memref<!tpu.dma_semaphore, #tpu.memory_space<semaphore_mem>>
      %dma_start3A_30 = arith.constant 0 : i32
      %dma_start3A_31 = arith.constant 0 : i32
      %dma_start3A_32 = tpu.memref_slice %arg3[%arg1, %dma_start3A_30, %dma_start3A_31] : memref<16x125x80xi32, #tpu.memory_space<hbm>> -> memref<1x125x80xi32, #tpu.memory_space<hbm>>
      %dma_start3A_33 = tpu.memref_squeeze %dma_start3A_32 : memref<1x125x80xi32, #tpu.memory_space<hbm>> -> memref<125x80xi32, #tpu.memory_space<hbm>>
      %dma_start3A_34 = arith.constant 0 : i32
      %dma_start3A_35 = arith.constant 0 : i32
      %dma_start3A_36 = tpu.memref_slice %arg3[%arg1, %dma_start3A_34, %dma_start3A_35] : memref<16x125x80xi32, #tpu.memory_space<hbm>> -> memref<1x125x80xi32, #tpu.memory_space<hbm>>
      %dma_start3A_37 = tpu.memref_squeeze %dma_start3A_36 : memref<1x125x80xi32, #tpu.memory_space<hbm>> -> memref<125x80xi32, #tpu.memory_space<hbm>>
      tpu.enqueue_dma source(%dma_start3A_37 : memref<125x80xi32, #tpu.memory_space<hbm>>) target(%arg6 : memref<125x80xi32, #tpu.memory_space<vmem>>) target_semaphore(%run_scoped3A : memref<!tpu.dma_semaphore, #tpu.memory_space<semaphore_mem>>)
      %dma_wait3A = arith.constant 0 : i32
      %dma_wait3A_38 = arith.constant 0 : i32
      %dma_wait3A_39 = tpu.memref_slice %arg3[%arg1, %dma_wait3A, %dma_wait3A_38] : memref<16x125x80xi32, #tpu.memory_space<hbm>> -> memref<1x125x80xi32, #tpu.memory_space<hbm>>
      %dma_wait3A_40 = tpu.memref_squeeze %dma_wait3A_39 : memref<1x125x80xi32, #tpu.memory_space<hbm>> -> memref<125x80xi32, #tpu.memory_space<hbm>>
      %dma_wait3A_41 = arith.constant 0 : i32
      %dma_wait3A_42 = arith.constant 0 : i32
      %dma_wait3A_43 = tpu.memref_slice %arg3[%arg1, %dma_wait3A_41, %dma_wait3A_42] : memref<16x125x80xi32, #tpu.memory_space<hbm>> -> memref<1x125x80xi32, #tpu.memory_space<hbm>>
      %dma_wait3A_44 = tpu.memref_squeeze %dma_wait3A_43 : memref<1x125x80xi32, #tpu.memory_space<hbm>> -> memref<125x80xi32, #tpu.memory_space<hbm>>
      tpu.wait_dma2 semaphore(%run_scoped3A : memref<!tpu.dma_semaphore, #tpu.memory_space<semaphore_mem>>) src(%dma_wait3A_44 : memref<125x80xi32, #tpu.memory_space<hbm>>) dst(%arg6 : memref<125x80xi32, #tpu.memory_space<vmem>>)
      tpu.yield
    }) : () -> ()
    %barrier3A = arith.constant 0 : index
    tpu.barrier barrier_id(%barrier3A)
    "tpu.trace_stop"() : () -> ()
    "tpu.trace_start"() <{level = 10 : i32, message = "sc_scatter_loop"}> : () -> ()
    %scan3A = arith.constant 0 : i32
    %scan3A_19 = arith.constant 0 : i32
    %scan3A_20 = arith.constant 63 : i32
    %scan3A_21 = arith.addi %scan3A_19, %scan3A_20 : i32
    %scan3A_22 = arith.constant 1 : i32
    scf.for %scan3A_30 = %scan3A_19 to %scan3A_21 step %scan3A_22  : i32 {
      %mul3A_31 = arith.constant 2 : i32
      %mul3A_32 = arith.muli %mul3A_31, %scan3A_30 : i32
      %add3A_33 = arith.constant 0 : i32
      %add3A_34 = arith.addi %mul3A_32, %add3A_33 : i32
      %lt3A = arith.constant 125 : i32
      %lt3A_35 = arith.cmpi slt, %add3A_34, %lt3A : i32
      %convert_element_type3A_36 = arith.extui %lt3A_35 : i1 to i32
      %cond3A_37 = arith.constant 0 : i32
      %cond3A_38 = arith.cmpi ne, %convert_element_type3A_36, %cond3A_37 : i32
      scf.if %cond3A_38 {
        %mul3A_48 = arith.constant 80 : i32
        %mul3A_49 = arith.muli %add3A_34, %mul3A_48 : i32
        %add3A_50 = arith.addi %mul3A_4, %mul3A_49 : i32
        %multiple_of3A_51 = tpu.assume_multiple %add3A_50, 8 : i32
        %dma_wait3A = arith.constant 0 : i32
        %dma_wait3A_52 = arith.constant 0 : i32
        %dma_wait3A_53 = arith.constant 0 : i32
        %dma_wait3A_54 = tpu.memref_slice %arg7[%dma_wait3A, %dma_wait3A_52, %dma_wait3A_53] : memref<2x80x128xf32, #tpu.memory_space<vmem>> -> memref<1x80x128xf32, #tpu.memory_space<vmem>>
        %dma_wait3A_55 = tpu.memref_squeeze %dma_wait3A_54 : memref<1x80x128xf32, #tpu.memory_space<vmem>> -> memref<80x128xf32, #tpu.memory_space<vmem>>
        %dma_wait3A_56 = tpu.memref_slice %arg2[%multiple_of3A_51, %multiple_of3A] : memref<160000x256xf32, #tpu.memory_space<hbm>> -> memref<80x128xf32, #tpu.memory_space<hbm>>
        %dma_wait3A_57 = arith.constant 0 : i32
        %dma_wait3A_58 = arith.constant 0 : i32
        %dma_wait3A_59 = tpu.memref_slice %arg7[%dma_wait3A, %dma_wait3A_57, %dma_wait3A_58] : memref<2x80x128xf32, #tpu.memory_space<vmem>> -> memref<1x80x128xf32, #tpu.memory_space<vmem>>
        %dma_wait3A_60 = tpu.memref_squeeze %dma_wait3A_59 : memref<1x80x128xf32, #tpu.memory_space<vmem>> -> memref<80x128xf32, #tpu.memory_space<vmem>>
        %dma_wait3A_61 = tpu.memref_slice %arg2[%multiple_of3A_51, %multiple_of3A] : memref<160000x256xf32, #tpu.memory_space<hbm>> -> memref<80x128xf32, #tpu.memory_space<hbm>>
        tpu.wait_dma2 semaphore(%arg9 : memref<!tpu.dma_semaphore, #tpu.memory_space<semaphore_mem>>) src(%dma_wait3A_61 : memref<80x128xf32, #tpu.memory_space<hbm>>) dst(%dma_wait3A_60 : memref<80x128xf32, #tpu.memory_space<vmem>>)
        %add3A_62 = arith.constant 1 : i32
        %add3A_63 = arith.addi %add3A_34, %add3A_62 : i32
        %lt3A_64 = arith.constant 125 : i32
        %lt3A_65 = arith.cmpi slt, %add3A_63, %lt3A_64 : i32
        %convert_element_type3A_66 = arith.extui %lt3A_65 : i1 to i32
        %cond3A_67 = arith.constant 0 : i32
        %cond3A_68 = arith.cmpi ne, %convert_element_type3A_66, %cond3A_67 : i32
        scf.if %cond3A_68 {
          %add3A_69 = arith.constant 1 : i32
          %add3A_70 = arith.addi %add3A_34, %add3A_69 : i32
          %mul3A_71 = arith.constant 80 : i32
          %mul3A_72 = arith.muli %add3A_70, %mul3A_71 : i32
          %add3A_73 = arith.addi %mul3A_4, %mul3A_72 : i32
          %multiple_of3A_74 = tpu.assume_multiple %add3A_73, 8 : i32
          %dma_start3A_75 = arith.constant 1 : i32
          %dma_start3A_76 = arith.constant 0 : i32
          %dma_start3A_77 = arith.constant 0 : i32
          %dma_start3A_78 = tpu.memref_slice %arg7[%dma_start3A_75, %dma_start3A_76, %dma_start3A_77] : memref<2x80x128xf32, #tpu.memory_space<vmem>> -> memref<1x80x128xf32, #tpu.memory_space<vmem>>
          %dma_start3A_79 = tpu.memref_squeeze %dma_start3A_78 : memref<1x80x128xf32, #tpu.memory_space<vmem>> -> memref<80x128xf32, #tpu.memory_space<vmem>>
          %dma_start3A_80 = tpu.memref_slice %arg2[%multiple_of3A_74, %multiple_of3A] : memref<160000x256xf32, #tpu.memory_space<hbm>> -> memref<80x128xf32, #tpu.memory_space<hbm>>
          %dma_start3A_81 = arith.constant 0 : i32
          %dma_start3A_82 = arith.constant 0 : i32
          %dma_start3A_83 = tpu.memref_slice %arg7[%dma_start3A_75, %dma_start3A_81, %dma_start3A_82] : memref<2x80x128xf32, #tpu.memory_space<vmem>> -> memref<1x80x128xf32, #tpu.memory_space<vmem>>
          %dma_start3A_84 = tpu.memref_squeeze %dma_start3A_83 : memref<1x80x128xf32, #tpu.memory_space<vmem>> -> memref<80x128xf32, #tpu.memory_space<vmem>>
          %dma_start3A_85 = tpu.memref_slice %arg2[%multiple_of3A_74, %multiple_of3A] : memref<160000x256xf32, #tpu.memory_space<hbm>> -> memref<80x128xf32, #tpu.memory_space<hbm>>
          tpu.enqueue_dma source(%dma_start3A_85 : memref<80x128xf32, #tpu.memory_space<hbm>>) target(%dma_start3A_84 : memref<80x128xf32, #tpu.memory_space<vmem>>) target_semaphore(%arg10 : memref<!tpu.dma_semaphore, #tpu.memory_space<semaphore_mem>>)
        } else {
        }
        %run_scoped3A = arith.constant 0 : i32
        "tpu.region"() ({
          %run_scoped3A_69 = tpu.sem_alloc : memref<!tpu.dma_semaphore, #tpu.memory_space<semaphore_mem>>
          %dma_start3A_70 = arith.constant 0 : i32
          %dma_start3A_71 = arith.constant 0 : i32
          %dma_start3A_72 = tpu.memref_slice %arg7[%run_scoped3A, %dma_start3A_70, %dma_start3A_71] : memref<2x80x128xf32, #tpu.memory_space<vmem>> -> memref<1x80x128xf32, #tpu.memory_space<vmem>>
          %dma_start3A_73 = tpu.memref_squeeze %dma_start3A_72 : memref<1x80x128xf32, #tpu.memory_space<vmem>> -> memref<80x128xf32, #tpu.memory_space<vmem>>
          %dma_start3A_74 = arith.constant 0 : i32
          %dma_start3A_75 = tpu.memref_slice %arg6[%add3A_34, %dma_start3A_74] : memref<125x80xi32, #tpu.memory_space<vmem>> -> memref<1x80xi32, #tpu.memory_space<vmem>>
          %dma_start3A_76 = tpu.memref_squeeze %dma_start3A_75 : memref<1x80xi32, #tpu.memory_space<vmem>> -> memref<80xi32, #tpu.memory_space<vmem>>
          %dma_start3A_77 = arith.constant 0 : i32
          %dma_start3A_78 = arith.constant 0 : i32
          %dma_start3A_79 = tpu.memref_slice %arg8[%dma_start3A_77, %dma_start3A_78] : memref<10000x128xf32, #tpu.memory_space<vmem_shared>> -> memref<10000x128xf32, #tpu.memory_space<vmem_shared>>
          tpu.enqueue_indirect_dma source(%dma_start3A_73 : memref<80x128xf32, #tpu.memory_space<vmem>>) target(%dma_start3A_79 : memref<10000x128xf32, #tpu.memory_space<vmem_shared>>) offsets(%dma_start3A_76 : memref<80xi32, #tpu.memory_space<vmem>>) semaphore(%run_scoped3A_69 : memref<!tpu.dma_semaphore, #tpu.memory_space<semaphore_mem>>) {add = true}
          %dma_wait3A_80 = arith.constant 0 : i32
          %dma_wait3A_81 = arith.constant 0 : i32
          %dma_wait3A_82 = tpu.memref_slice %arg7[%run_scoped3A, %dma_wait3A_80, %dma_wait3A_81] : memref<2x80x128xf32, #tpu.memory_space<vmem>> -> memref<1x80x128xf32, #tpu.memory_space<vmem>>
          %dma_wait3A_83 = tpu.memref_squeeze %dma_wait3A_82 : memref<1x80x128xf32, #tpu.memory_space<vmem>> -> memref<80x128xf32, #tpu.memory_space<vmem>>
          %dma_wait3A_84 = arith.constant 0 : i32
          %dma_wait3A_85 = tpu.memref_slice %arg6[%add3A_34, %dma_wait3A_84] : memref<125x80xi32, #tpu.memory_space<vmem>> -> memref<1x80xi32, #tpu.memory_space<vmem>>
          %dma_wait3A_86 = tpu.memref_squeeze %dma_wait3A_85 : memref<1x80xi32, #tpu.memory_space<vmem>> -> memref<80xi32, #tpu.memory_space<vmem>>
          %dma_wait3A_87 = arith.constant 0 : i32
          %dma_wait3A_88 = arith.constant 0 : i32
          %dma_wait3A_89 = tpu.memref_slice %arg8[%dma_wait3A_87, %dma_wait3A_88] : memref<10000x128xf32, #tpu.memory_space<vmem_shared>> -> memref<10000x128xf32, #tpu.memory_space<vmem_shared>>
          tpu.wait_indirect_dma semaphore(%run_scoped3A_69 : memref<!tpu.dma_semaphore, #tpu.memory_space<semaphore_mem>>) src(%dma_wait3A_83 : memref<80x128xf32, #tpu.memory_space<vmem>>) dst(%dma_wait3A_89 : memref<10000x128xf32, #tpu.memory_space<vmem_shared>>)
          tpu.yield
        }) : () -> ()
      } else {
      }
      %mul3A_39 = arith.constant 2 : i32
      %mul3A_40 = arith.muli %mul3A_39, %scan3A_30 : i32
      %add3A_41 = arith.constant 1 : i32
      %add3A_42 = arith.addi %mul3A_40, %add3A_41 : i32
      %lt3A_43 = arith.constant 125 : i32
      %lt3A_44 = arith.cmpi slt, %add3A_42, %lt3A_43 : i32
      %convert_element_type3A_45 = arith.extui %lt3A_44 : i1 to i32
      %cond3A_46 = arith.constant 0 : i32
      %cond3A_47 = arith.cmpi ne, %convert_element_type3A_45, %cond3A_46 : i32
      scf.if %cond3A_47 {
        %mul3A_48 = arith.constant 80 : i32
        %mul3A_49 = arith.muli %add3A_42, %mul3A_48 : i32
        %add3A_50 = arith.addi %mul3A_4, %mul3A_49 : i32
        %multiple_of3A_51 = tpu.assume_multiple %add3A_50, 8 : i32
        %dma_wait3A = arith.constant 1 : i32
        %dma_wait3A_52 = arith.constant 0 : i32
        %dma_wait3A_53 = arith.constant 0 : i32
        %dma_wait3A_54 = tpu.memref_slice %arg7[%dma_wait3A, %dma_wait3A_52, %dma_wait3A_53] : memref<2x80x128xf32, #tpu.memory_space<vmem>> -> memref<1x80x128xf32, #tpu.memory_space<vmem>>
        %dma_wait3A_55 = tpu.memref_squeeze %dma_wait3A_54 : memref<1x80x128xf32, #tpu.memory_space<vmem>> -> memref<80x128xf32, #tpu.memory_space<vmem>>
        %dma_wait3A_56 = tpu.memref_slice %arg2[%multiple_of3A_51, %multiple_of3A] : memref<160000x256xf32, #tpu.memory_space<hbm>> -> memref<80x128xf32, #tpu.memory_space<hbm>>
        %dma_wait3A_57 = arith.constant 0 : i32
        %dma_wait3A_58 = arith.constant 0 : i32
        %dma_wait3A_59 = tpu.memref_slice %arg7[%dma_wait3A, %dma_wait3A_57, %dma_wait3A_58] : memref<2x80x128xf32, #tpu.memory_space<vmem>> -> memref<1x80x128xf32, #tpu.memory_space<vmem>>
        %dma_wait3A_60 = tpu.memref_squeeze %dma_wait3A_59 : memref<1x80x128xf32, #tpu.memory_space<vmem>> -> memref<80x128xf32, #tpu.memory_space<vmem>>
        %dma_wait3A_61 = tpu.memref_slice %arg2[%multiple_of3A_51, %multiple_of3A] : memref<160000x256xf32, #tpu.memory_space<hbm>> -> memref<80x128xf32, #tpu.memory_space<hbm>>
        tpu.wait_dma2 semaphore(%arg10 : memref<!tpu.dma_semaphore, #tpu.memory_space<semaphore_mem>>) src(%dma_wait3A_61 : memref<80x128xf32, #tpu.memory_space<hbm>>) dst(%dma_wait3A_60 : memref<80x128xf32, #tpu.memory_space<vmem>>)
        %add3A_62 = arith.constant 1 : i32
        %add3A_63 = arith.addi %add3A_42, %add3A_62 : i32
        %lt3A_64 = arith.constant 125 : i32
        %lt3A_65 = arith.cmpi slt, %add3A_63, %lt3A_64 : i32
        %convert_element_type3A_66 = arith.extui %lt3A_65 : i1 to i32
        %cond3A_67 = arith.constant 0 : i32
        %cond3A_68 = arith.cmpi ne, %convert_element_type3A_66, %cond3A_67 : i32
        scf.if %cond3A_68 {
          %add3A_69 = arith.constant 1 : i32
          %add3A_70 = arith.addi %add3A_42, %add3A_69 : i32
          %mul3A_71 = arith.constant 80 : i32
          %mul3A_72 = arith.muli %add3A_70, %mul3A_71 : i32
          %add3A_73 = arith.addi %mul3A_4, %mul3A_72 : i32
          %multiple_of3A_74 = tpu.assume_multiple %add3A_73, 8 : i32
          %dma_start3A_75 = arith.constant 0 : i32
          %dma_start3A_76 = arith.constant 0 : i32
          %dma_start3A_77 = arith.constant 0 : i32
          %dma_start3A_78 = tpu.memref_slice %arg7[%dma_start3A_75, %dma_start3A_76, %dma_start3A_77] : memref<2x80x128xf32, #tpu.memory_space<vmem>> -> memref<1x80x128xf32, #tpu.memory_space<vmem>>
          %dma_start3A_79 = tpu.memref_squeeze %dma_start3A_78 : memref<1x80x128xf32, #tpu.memory_space<vmem>> -> memref<80x128xf32, #tpu.memory_space<vmem>>
          %dma_start3A_80 = tpu.memref_slice %arg2[%multiple_of3A_74, %multiple_of3A] : memref<160000x256xf32, #tpu.memory_space<hbm>> -> memref<80x128xf32, #tpu.memory_space<hbm>>
          %dma_start3A_81 = arith.constant 0 : i32
          %dma_start3A_82 = arith.constant 0 : i32
          %dma_start3A_83 = tpu.memref_slice %arg7[%dma_start3A_75, %dma_start3A_81, %dma_start3A_82] : memref<2x80x128xf32, #tpu.memory_space<vmem>> -> memref<1x80x128xf32, #tpu.memory_space<vmem>>
          %dma_start3A_84 = tpu.memref_squeeze %dma_start3A_83 : memref<1x80x128xf32, #tpu.memory_space<vmem>> -> memref<80x128xf32, #tpu.memory_space<vmem>>
          %dma_start3A_85 = tpu.memref_slice %arg2[%multiple_of3A_74, %multiple_of3A] : memref<160000x256xf32, #tpu.memory_space<hbm>> -> memref<80x128xf32, #tpu.memory_space<hbm>>
          tpu.enqueue_dma source(%dma_start3A_85 : memref<80x128xf32, #tpu.memory_space<hbm>>) target(%dma_start3A_84 : memref<80x128xf32, #tpu.memory_space<vmem>>) target_semaphore(%arg9 : memref<!tpu.dma_semaphore, #tpu.memory_space<semaphore_mem>>)
        } else {
        }
        %run_scoped3A = arith.constant 1 : i32
        "tpu.region"() ({
          %run_scoped3A_69 = tpu.sem_alloc : memref<!tpu.dma_semaphore, #tpu.memory_space<semaphore_mem>>
          %dma_start3A_70 = arith.constant 0 : i32
          %dma_start3A_71 = arith.constant 0 : i32
          %dma_start3A_72 = tpu.memref_slice %arg7[%run_scoped3A, %dma_start3A_70, %dma_start3A_71] : memref<2x80x128xf32, #tpu.memory_space<vmem>> -> memref<1x80x128xf32, #tpu.memory_space<vmem>>
          %dma_start3A_73 = tpu.memref_squeeze %dma_start3A_72 : memref<1x80x128xf32, #tpu.memory_space<vmem>> -> memref<80x128xf32, #tpu.memory_space<vmem>>
          %dma_start3A_74 = arith.constant 0 : i32
          %dma_start3A_75 = tpu.memref_slice %arg6[%add3A_42, %dma_start3A_74] : memref<125x80xi32, #tpu.memory_space<vmem>> -> memref<1x80xi32, #tpu.memory_space<vmem>>
          %dma_start3A_76 = tpu.memref_squeeze %dma_start3A_75 : memref<1x80xi32, #tpu.memory_space<vmem>> -> memref<80xi32, #tpu.memory_space<vmem>>
          %dma_start3A_77 = arith.constant 0 : i32
          %dma_start3A_78 = arith.constant 0 : i32
          %dma_start3A_79 = tpu.memref_slice %arg8[%dma_start3A_77, %dma_start3A_78] : memref<10000x128xf32, #tpu.memory_space<vmem_shared>> -> memref<10000x128xf32, #tpu.memory_space<vmem_shared>>
          tpu.enqueue_indirect_dma source(%dma_start3A_73 : memref<80x128xf32, #tpu.memory_space<vmem>>) target(%dma_start3A_79 : memref<10000x128xf32, #tpu.memory_space<vmem_shared>>) offsets(%dma_start3A_76 : memref<80xi32, #tpu.memory_space<vmem>>) semaphore(%run_scoped3A_69 : memref<!tpu.dma_semaphore, #tpu.memory_space<semaphore_mem>>) {add = true}
          %dma_wait3A_80 = arith.constant 0 : i32
          %dma_wait3A_81 = arith.constant 0 : i32
          %dma_wait3A_82 = tpu.memref_slice %arg7[%run_scoped3A, %dma_wait3A_80, %dma_wait3A_81] : memref<2x80x128xf32, #tpu.memory_space<vmem>> -> memref<1x80x128xf32, #tpu.memory_space<vmem>>
          %dma_wait3A_83 = tpu.memref_squeeze %dma_wait3A_82 : memref<1x80x128xf32, #tpu.memory_space<vmem>> -> memref<80x128xf32, #tpu.memory_space<vmem>>
          %dma_wait3A_84 = arith.constant 0 : i32
          %dma_wait3A_85 = tpu.memref_slice %arg6[%add3A_42, %dma_wait3A_84] : memref<125x80xi32, #tpu.memory_space<vmem>> -> memref<1x80xi32, #tpu.memory_space<vmem>>
          %dma_wait3A_86 = tpu.memref_squeeze %dma_wait3A_85 : memref<1x80xi32, #tpu.memory_space<vmem>> -> memref<80xi32, #tpu.memory_space<vmem>>
          %dma_wait3A_87 = arith.constant 0 : i32
          %dma_wait3A_88 = arith.constant 0 : i32
          %dma_wait3A_89 = tpu.memref_slice %arg8[%dma_wait3A_87, %dma_wait3A_88] : memref<10000x128xf32, #tpu.memory_space<vmem_shared>> -> memref<10000x128xf32, #tpu.memory_space<vmem_shared>>
          tpu.wait_indirect_dma semaphore(%run_scoped3A_69 : memref<!tpu.dma_semaphore, #tpu.memory_space<semaphore_mem>>) src(%dma_wait3A_83 : memref<80x128xf32, #tpu.memory_space<vmem>>) dst(%dma_wait3A_89 : memref<10000x128xf32, #tpu.memory_space<vmem_shared>>)
          tpu.yield
        }) : () -> ()
      } else {
      }
    }
    %scan3A_23 = arith.constant 63 : i32
    %barrier3A_24 = arith.constant 0 : index
    tpu.barrier barrier_id(%barrier3A_24)
    "tpu.trace_stop"() : () -> ()
    "tpu.trace_start"() <{level = 10 : i32, message = "sc_drain"}> : () -> ()
    "tpu.region"() ({
      %run_scoped3A = tpu.sem_alloc : memref<!tpu.dma_semaphore, #tpu.memory_space<semaphore_mem>>
      %dma_start3A_30 = arith.constant 0 : i32
      %dma_start3A_31 = tpu.memref_slice %arg5[%arg0, %mul3A_2, %dma_start3A_30] : memref<2x10000x128xf32, #tpu.memory_space<hbm>> -> memref<1x624x128xf32, #tpu.memory_space<hbm>>
      %dma_start3A_32 = tpu.memref_squeeze %dma_start3A_31 : memref<1x624x128xf32, #tpu.memory_space<hbm>> -> memref<624x128xf32, #tpu.memory_space<hbm>>
      %dma_start3A_33 = arith.constant 0 : i32
      %dma_start3A_34 = tpu.memref_slice %arg8[%mul3A_2, %dma_start3A_33] : memref<10000x128xf32, #tpu.memory_space<vmem_shared>> -> memref<624x128xf32, #tpu.memory_space<vmem_shared>>
      tpu.enqueue_dma source(%dma_start3A_34 : memref<624x128xf32, #tpu.memory_space<vmem_shared>>) target(%dma_start3A_32 : memref<624x128xf32, #tpu.memory_space<hbm>>) target_semaphore(%run_scoped3A : memref<!tpu.dma_semaphore, #tpu.memory_space<semaphore_mem>>)
      %dma_wait3A = arith.constant 0 : i32
      %dma_wait3A_35 = tpu.memref_slice %arg5[%arg0, %mul3A_2, %dma_wait3A] : memref<2x10000x128xf32, #tpu.memory_space<hbm>> -> memref<1x624x128xf32, #tpu.memory_space<hbm>>
      %dma_wait3A_36 = tpu.memref_squeeze %dma_wait3A_35 : memref<1x624x128xf32, #tpu.memory_space<hbm>> -> memref<624x128xf32, #tpu.memory_space<hbm>>
      %dma_wait3A_37 = arith.constant 0 : i32
      %dma_wait3A_38 = tpu.memref_slice %arg8[%mul3A_2, %dma_wait3A_37] : memref<10000x128xf32, #tpu.memory_space<vmem_shared>> -> memref<624x128xf32, #tpu.memory_space<vmem_shared>>
      tpu.wait_dma2 semaphore(%run_scoped3A : memref<!tpu.dma_semaphore, #tpu.memory_space<semaphore_mem>>) src(%dma_wait3A_38 : memref<624x128xf32, #tpu.memory_space<vmem_shared>>) dst(%dma_wait3A_36 : memref<624x128xf32, #tpu.memory_space<hbm>>)
      tpu.yield
    }) : () -> ()
    %eq3A_25 = arith.constant 0 : i32
    %eq3A_26 = arith.cmpi eq, %arg1, %eq3A_25 : i32
    %convert_element_type3A_27 = arith.extui %eq3A_26 : i1 to i32
    %cond3A_28 = arith.constant 0 : i32
    %cond3A_29 = arith.cmpi ne, %convert_element_type3A_27, %cond3A_28 : i32
    scf.if %cond3A_29 {
      "tpu.region"() ({
        %run_scoped3A = tpu.sem_alloc : memref<!tpu.dma_semaphore, #tpu.memory_space<semaphore_mem>>
        %dma_start3A_30 = arith.constant 9984 : i32
        %dma_start3A_31 = arith.constant 0 : i32
        %dma_start3A_32 = tpu.memref_slice %arg5[%arg0, %dma_start3A_30, %dma_start3A_31] : memref<2x10000x128xf32, #tpu.memory_space<hbm>> -> memref<1x16x128xf32, #tpu.memory_space<hbm>>
        %dma_start3A_33 = tpu.memref_squeeze %dma_start3A_32 : memref<1x16x128xf32, #tpu.memory_space<hbm>> -> memref<16x128xf32, #tpu.memory_space<hbm>>
        %dma_start3A_34 = arith.constant 9984 : i32
        %dma_start3A_35 = arith.constant 0 : i32
        %dma_start3A_36 = tpu.memref_slice %arg8[%dma_start3A_34, %dma_start3A_35] : memref<10000x128xf32, #tpu.memory_space<vmem_shared>> -> memref<16x128xf32, #tpu.memory_space<vmem_shared>>
        tpu.enqueue_dma source(%dma_start3A_36 : memref<16x128xf32, #tpu.memory_space<vmem_shared>>) target(%dma_start3A_33 : memref<16x128xf32, #tpu.memory_space<hbm>>) target_semaphore(%run_scoped3A : memref<!tpu.dma_semaphore, #tpu.memory_space<semaphore_mem>>)
        %dma_wait3A = arith.constant 9984 : i32
        %dma_wait3A_37 = arith.constant 0 : i32
        %dma_wait3A_38 = tpu.memref_slice %arg5[%arg0, %dma_wait3A, %dma_wait3A_37] : memref<2x10000x128xf32, #tpu.memory_space<hbm>> -> memref<1x16x128xf32, #tpu.memory_space<hbm>>
        %dma_wait3A_39 = tpu.memref_squeeze %dma_wait3A_38 : memref<1x16x128xf32, #tpu.memory_space<hbm>> -> memref<16x128xf32, #tpu.memory_space<hbm>>
        %dma_wait3A_40 = arith.constant 9984 : i32
        %dma_wait3A_41 = arith.constant 0 : i32
        %dma_wait3A_42 = tpu.memref_slice %arg8[%dma_wait3A_40, %dma_wait3A_41] : memref<10000x128xf32, #tpu.memory_space<vmem_shared>> -> memref<16x128xf32, #tpu.memory_space<vmem_shared>>
        tpu.wait_dma2 semaphore(%run_scoped3A : memref<!tpu.dma_semaphore, #tpu.memory_space<semaphore_mem>>) src(%dma_wait3A_42 : memref<16x128xf32, #tpu.memory_space<vmem_shared>>) dst(%dma_wait3A_39 : memref<16x128xf32, #tpu.memory_space<hbm>>)
        tpu.yield
      }) : () -> ()
    } else {
    }
    "tpu.trace_stop"() : () -> ()
    return
  }
}

module attributes {stable_mosaic.version = 14 : i64} {
  func.func @body(%arg0: i32, %arg1: memref<2x2000x128xf32, #tpu.memory_space<vmem>>, %arg2: memref<2000x256xf32, #tpu.memory_space<vmem>>, %arg3: memref<256x768xf32, #tpu.memory_space<vmem>>, %arg4: memref<256x768xf32, #tpu.memory_space<vmem>>, %arg5: memref<2x768xf32, #tpu.memory_space<vmem>>, %arg6: memref<2000x256xf32, #tpu.memory_space<vmem>>) attributes {dimension_semantics = [#tpu.dimension_semantics<arbitrary>], iteration_bounds = array<i64: 5>, scalar_prefetch = 0 : i64, scratch_operands = 0 : i64, tpu.core_type = #tpu.core_type<tc>, window_params = [{transform_indices = @transform_0, window_bounds = array<i64: 2, 2000, 128>}, {transform_indices = @transform_1, window_bounds = array<i64: 2000, 256>}, {pipeline_mode = #tpu.pipeline_mode<synchronous>, transform_indices = @transform_2, window_bounds = array<i64: 256, 768>}, {pipeline_mode = #tpu.pipeline_mode<synchronous>, transform_indices = @transform_3, window_bounds = array<i64: 256, 768>}, {pipeline_mode = #tpu.pipeline_mode<synchronous>, transform_indices = @transform_4, window_bounds = array<i64: 2, 768>}, {transform_indices = @transform_5, window_bounds = array<i64: 2000, 256>}]} {
    %get3A = arith.constant 0 : index
    %get3A_0 = arith.constant 0 : index
    %get3A_1 = arith.constant 0 : index
    %get3A_2 = vector.load %arg1[%get3A, %get3A_0, %get3A_1] : memref<2x2000x128xf32, #tpu.memory_space<vmem>>, vector<1x2000x128xf32>
    %get3A_3 = vector.shape_cast %get3A_2 : vector<1x2000x128xf32> to vector<2000x128xf32>
    %get3A_4 = arith.constant 1 : index
    %get3A_5 = arith.constant 0 : index
    %get3A_6 = arith.constant 0 : index
    %get3A_7 = vector.load %arg1[%get3A_4, %get3A_5, %get3A_6] : memref<2x2000x128xf32, #tpu.memory_space<vmem>>, vector<1x2000x128xf32>
    %get3A_8 = vector.shape_cast %get3A_7 : vector<1x2000x128xf32> to vector<2000x128xf32>
    %concatenate3A = tpu.concatenate %get3A_3, %get3A_8 in 1 : vector<2000x128xf32>, vector<2000x128xf32> -> vector<2000x256xf32>
    %get3A_9 = arith.constant 0 : index
    %get3A_10 = arith.constant 0 : index
    %get3A_11 = vector.load %arg2[%get3A_9, %get3A_10] : memref<2000x256xf32, #tpu.memory_space<vmem>>, vector<2000x256xf32>
    %get3A_12 = arith.constant 0 : index
    %get3A_13 = arith.constant 0 : index
    %get3A_14 = vector.load %arg3[%get3A_12, %get3A_13] : memref<256x768xf32, #tpu.memory_space<vmem>>, vector<256x768xf32>
    %dot_general3A = arith.constant dense<0.000000e+00> : vector<2000x768xf32>
    %dot_general3A_15 = tpu.matmul %concatenate3A, %get3A_14, %dot_general3A {dimension_numbers = #tpu.dot_dimension_numbers<[1], [0], [0], [1], [0, 0, 1, 1], [], []>, transpose_lhs_hint = false} : vector<2000x256xf32>, vector<256x768xf32>, vector<2000x768xf32> -> vector<2000x768xf32>
    %get3A_16 = arith.constant 0 : index
    %get3A_17 = arith.constant 0 : index
    %get3A_18 = vector.load %arg5[%get3A_16, %get3A_17] : memref<2x768xf32, #tpu.memory_space<vmem>>, vector<1x768xf32>
    %add3A = vector.broadcast %get3A_18 : vector<1x768xf32> to vector<2000x768xf32>
    %add3A_19 = arith.addf %dot_general3A_15, %add3A : vector<2000x768xf32>
    %get3A_20 = arith.constant 0 : index
    %get3A_21 = arith.constant 0 : index
    %get3A_22 = vector.load %arg4[%get3A_20, %get3A_21] : memref<256x768xf32, #tpu.memory_space<vmem>>, vector<256x768xf32>
    %dot_general3A_23 = arith.constant dense<0.000000e+00> : vector<2000x768xf32>
    %dot_general3A_24 = tpu.matmul %get3A_11, %get3A_22, %dot_general3A_23 {dimension_numbers = #tpu.dot_dimension_numbers<[1], [0], [0], [1], [0, 0, 1, 1], [], []>, transpose_lhs_hint = false} : vector<2000x256xf32>, vector<256x768xf32>, vector<2000x768xf32> -> vector<2000x768xf32>
    %get3A_25 = arith.constant 1 : index
    %get3A_26 = arith.constant 0 : index
    %get3A_27 = vector.load %arg5[%get3A_25, %get3A_26] : memref<2x768xf32, #tpu.memory_space<vmem>>, vector<1x768xf32>
    %add3A_28 = vector.broadcast %get3A_27 : vector<1x768xf32> to vector<2000x768xf32>
    %add3A_29 = arith.addf %dot_general3A_24, %add3A_28 : vector<2000x768xf32>
    %slice3A = vector.extract_strided_slice %add3A_19 {offsets = [0, 0], sizes = [2000, 256], strides = [1, 1]} : vector<2000x768xf32> to vector<2000x256xf32>
    %slice3A_30 = vector.extract_strided_slice %add3A_29 {offsets = [0, 0], sizes = [2000, 256], strides = [1, 1]} : vector<2000x768xf32> to vector<2000x256xf32>
    %add3A_31 = arith.addf %slice3A, %slice3A_30 : vector<2000x256xf32>
    %logistic3A = arith.negf %add3A_31 : vector<2000x256xf32>
    %logistic3A_32 = math.exp %logistic3A : vector<2000x256xf32>
    %logistic3A_33 = arith.constant 1.000000e+00 : f32
    %logistic3A_34 = vector.broadcast %logistic3A_33 : f32 to vector<2000x256xf32>
    %logistic3A_35 = arith.addf %logistic3A_34, %logistic3A_32 : vector<2000x256xf32>
    %logistic3A_36 = arith.divf %logistic3A_34, %logistic3A_35 : vector<2000x256xf32>
    %slice3A_37 = vector.extract_strided_slice %add3A_19 {offsets = [0, 256], sizes = [2000, 256], strides = [1, 1]} : vector<2000x768xf32> to vector<2000x256xf32>
    %slice3A_38 = vector.extract_strided_slice %add3A_29 {offsets = [0, 256], sizes = [2000, 256], strides = [1, 1]} : vector<2000x768xf32> to vector<2000x256xf32>
    %add3A_39 = arith.addf %slice3A_37, %slice3A_38 : vector<2000x256xf32>
    %logistic3A_40 = arith.negf %add3A_39 : vector<2000x256xf32>
    %logistic3A_41 = math.exp %logistic3A_40 : vector<2000x256xf32>
    %logistic3A_42 = arith.constant 1.000000e+00 : f32
    %logistic3A_43 = vector.broadcast %logistic3A_42 : f32 to vector<2000x256xf32>
    %logistic3A_44 = arith.addf %logistic3A_43, %logistic3A_41 : vector<2000x256xf32>
    %logistic3A_45 = arith.divf %logistic3A_43, %logistic3A_44 : vector<2000x256xf32>
    %slice3A_46 = vector.extract_strided_slice %add3A_19 {offsets = [0, 512], sizes = [2000, 256], strides = [1, 1]} : vector<2000x768xf32> to vector<2000x256xf32>
    %slice3A_47 = vector.extract_strided_slice %add3A_29 {offsets = [0, 512], sizes = [2000, 256], strides = [1, 1]} : vector<2000x768xf32> to vector<2000x256xf32>
    %mul3A = arith.mulf %logistic3A_45, %slice3A_47 : vector<2000x256xf32>
    %add3A_48 = arith.addf %slice3A_46, %mul3A : vector<2000x256xf32>
    %tanh3A = math.tanh %add3A_48 : vector<2000x256xf32>
    %mul3A_49 = arith.mulf %logistic3A_36, %get3A_11 : vector<2000x256xf32>
    %sub3A = arith.constant 1.000000e+00 : f32
    %sub3A_50 = vector.broadcast %sub3A : f32 to vector<2000x256xf32>
    %sub3A_51 = arith.subf %sub3A_50, %logistic3A_36 : vector<2000x256xf32>
    %mul3A_52 = arith.mulf %sub3A_51, %tanh3A : vector<2000x256xf32>
    %add3A_53 = arith.addf %mul3A_49, %mul3A_52 : vector<2000x256xf32>
    %swap3A = arith.constant 0 : index
    %swap3A_54 = arith.constant 0 : index
    %swap3A_55 = vector.load %arg6[%swap3A, %swap3A_54] : memref<2000x256xf32, #tpu.memory_space<vmem>>, vector<2000x256xf32>
    tpu.vector_store %arg6[%swap3A, %swap3A_54], %add3A_53 {strides = array<i32>} : memref<2000x256xf32, #tpu.memory_space<vmem>>, vector<2000x256xf32>,
    return
  }
  func.func @transform_0(%arg0: i32) -> (i32, i32, i32) {
    %c0_i32 = arith.constant 0 : i32
    %c0_i32_0 = arith.constant 0 : i32
    %c0_i32_1 = arith.constant 0 : i32
    return %c0_i32, %arg0, %c0_i32_0 : i32, i32, i32
  }
  func.func @transform_1(%arg0: i32) -> (i32, i32) {
    %c0_i32 = arith.constant 0 : i32
    %c0_i32_0 = arith.constant 0 : i32
    return %arg0, %c0_i32 : i32, i32
  }
  func.func @transform_2(%arg0: i32) -> (i32, i32) {
    %c0_i32 = arith.constant 0 : i32
    %c0_i32_0 = arith.constant 0 : i32
    %c0_i32_1 = arith.constant 0 : i32
    return %c0_i32, %c0_i32_0 : i32, i32
  }
  func.func @transform_3(%arg0: i32) -> (i32, i32) {
    %c0_i32 = arith.constant 0 : i32
    %c0_i32_0 = arith.constant 0 : i32
    %c0_i32_1 = arith.constant 0 : i32
    return %c0_i32, %c0_i32_0 : i32, i32
  }
  func.func @transform_4(%arg0: i32) -> (i32, i32) {
    %c0_i32 = arith.constant 0 : i32
    %c0_i32_0 = arith.constant 0 : i32
    %c0_i32_1 = arith.constant 0 : i32
    return %c0_i32, %c0_i32_0 : i32, i32
  }
  func.func @transform_5(%arg0: i32) -> (i32, i32) {
    %c0_i32 = arith.constant 0 : i32
    %c0_i32_0 = arith.constant 0 : i32
    return %arg0, %c0_i32 : i32, i32
  }
}

</mosaic_0001>

<sc_bundles>
// kernel: kernel.4.cloned.1.call-start
scs
__scs_entry_jumppad:
0x0: {  	(pc) =	sbr.rel $0x88, $3  }
0x1: {  	(tag) =	ssettag $0x0;
	lr =	simm.s32 $0x1  }
0x2: {  	[smem:$0x3F9B] =	sst lr;
	_ =	strace $0xD0000000  }
0x3: {  	_ = 	snop  }
0x4: {  	_ = 	snop  }
0x5: {  	_ = 	snop  }
0x6: {  	_ = 	snop  }
0x7: {  	_ = 	snop  }
__scs_overlays_trampoline_lowered:
0x8: {  	[smem:$0x3FAA] =	sst s0  }
0x9: {  	[smem:$0x3FAB] =	sst s1  }
0xa: {  	[smem:$0x3FAC] =	sst s2  }
0xb: {  	[smem:$0x3FAD] =	sst s3  }
0xc: {  	[smem:$0x3FAE] =	sst s4  }
0xd: {  	[smem:$0x3FAF] =	sst s5  }
0xe: {  	[smem:$0x3FB0] =	sst s6  }
0xf: {  	[smem:$0x3FB1] =	sst s7  }
0x10: {  	[smem:$0x3FB2] =	sst s8  }
0x11: {  	[smem:$0x3FB3] =	sst s9;
	s0 =	simm.s32 @!p0 $0x0  }
0x12: {  	s1 =	sld [smem:$0x3F99];
	s0 =	simm.s32 @p0 $0x1  }
0x13: {  	[smem:$0x3FB4] =	sst s0;
	s0 =	simm.s32 @!p1 $0x0  }
0x14: {  	s2 =	sld [smem:$0x3F98];
	s0 =	simm.s32 @p1 $0x1  }
0x15: {  	[smem:$0x3FB5] =	sst s0;
	s0 =	simm.s32 @!p2 $0x0  }
0x16: {  	s3 =	sld [smem:$0x3FDB];
	s0 =	simm.s32 @p2 $0x1  }
0x17: {  	s4 =	simm.s32 $0x1BF5;
	[smem:$0x3FB7] =	sst s0  }
0x18: {  	s0 =	sld [smem:$0x3F9A];
	_ =	swait.ge [sflag:s4], $0x0  }
0x19: {  	s7 =	sld [smem:$0x3F9B]  }
0x1a: {  	s8 =	sadd.s32 $0xFFFFE003, lr  }
0x1b: {  	s9 =	sadd.s32 $0xFFFFFEF7, lr;
	s5 =	simm.s32 $0xFFFFFFFF;
	p2 =	slt.u32 s8, $0xFFFFF086  }
0x1c: {  	p1 =	slt.u32 s9, $0xF7A;
	s5 =	simm.s32 @!p2 $0x0  }
0x1d: {  	s5 =	simm.s32 @p1 $0x1;
	p0 =	seq.s32 s7, s2  }
0x1e: {  	s7 =	smul.u32 @!p0 $0xF7A, s2;
	p2 =	seq.s32 @!p0 s5, $0x0  }
0x1f: {  	s9 =	smul.u32 $0xF7A, s1;
	s8 =	simm.s32 @!p0 $0x1BF5;
	p2 =	por !p2, p0  }
0x20: {  	[sflag:s8] =	ssyncset.s32 @!p0 $0xFFFFF086;
	s6 =	sadd.s32 @!p0 s3, s7;
	s7 =	simm.s32 @!p0 $0x108  }
0x21: {  	s3 =	sadd.s32 s3, s9;
	s6 =	sadd.s32 @!p0 $0x88, s6;
	s7 =	simm.s32 @p2 $0x1082  }
0x22: {  	[simem:s7], [sflag:s8] =	dma.local @!p0 [hbm:s6], $0xF7A  }
0x23: {  	s9 =	sor.u32 $0xD0000000, s2;
	s6 =	simm.s32 $0x108;
	_ =	swait.ge @!p0 [sflag:s8], $0x0  }
0x24: {  	s3 =	sadd.s32 $0x88, s3;
	s6 =	simm.s32 @!p1 $0x1082;
	[sflag:s4] =	ssyncset.s32 $0xFFFFF086  }
0x25: {  	[simem:s6], [sflag:s4] =	dma.local [hbm:s3], $0xF7A  }
0x26: {  	[smem:$0x3F9B] =	sst s1;
	(tag) =	ssettag s2;
	_ =	strace s9  }
0x27: {  	s1 =	sld [smem:$0x3FAB]  }
0x28: {  	s2 =	sld [smem:$0x3FAC]  }
0x29: {  	s4 =	sld [smem:$0x3FAE]  }
0x2a: {  	p0 =	seq.s32 s5, $0x0;
	s5 =	sld [smem:$0x3FAF]  }
0x2b: {  	s6 =	sld [smem:$0x3FB0]  }
0x2c: {  	s7 =	sld [smem:$0x3FB1]  }
0x2d: {  	s3 =	simm.s32 $0x108;
	s8 =	sld [smem:$0x3FB2]  }
0x2e: {  	s3 =	simm.s32 @!p0 $0x1082;
	s9 =	sld [smem:$0x3FB3]  }
0x2f: {  	lr =	sadd.s32 s0, s3;
	s0 =	sld [smem:$0x3FAA]  }
0x30: {  	s3 =	sld [smem:$0x3FAD]  }
0x31: {  	[smem:$0x3FB6] =	sst s10  }
0x32: {  	s10 =	sld [smem:$0x3FB4];
	_ =	sdelay $0x3  }
0x33: {  	p0 =	seq.s32 s10, $0x1;
	s10 =	sld [smem:$0x3FB6];
	_ =	sdelay $0x3  }
0x34: {  	[smem:$0x3FB6] =	sst s10  }
0x35: {  	s10 =	sld [smem:$0x3FB5];
	_ =	sdelay $0x3  }
0x36: {  	p1 =	seq.s32 s10, $0x1;
	s10 =	sld [smem:$0x3FB6];
	_ =	sdelay $0x3  }
0x37: {  	[smem:$0x3FB6] =	sst s10  }
0x38: {  	s10 =	sld [smem:$0x3FB7]  }
0x39: {  	_ = 	snop;
	(pc) =	sbr.ind lr, $3  }
0x3a: {  	_ = 	snop  }
0x3b: {  	_ = 	snop  }
0x3c: {  	p2 =	seq.s32 s10, $0x1;
	s10 =	sld [smem:$0x3FB6]  }
0x3d: {  	_ =	shalt  }
0x3e: {  	_ =	shalt  }
0x3f: {  	_ =	shalt  }
0x40: {  	_ =	shalt  }
0x41: {  	_ =	shalt  }
0x42: {  	_ =	shalt  }
0x43: {  	_ =	shalt  }
0x44: {  	_ =	shalt  }
0x45: {  	_ =	shalt  }
0x46: {  	_ =	shalt  }
0x47: {  	_ =	shalt  }
0x48: {  	_ =	shalt  }
0x49: {  	_ =	shalt  }
0x4a: {  	_ =	shalt  }
0x4b: {  	_ =	shalt  }
0x4c: {  	_ =	shalt  }
0x4d: {  	_ =	shalt  }
0x4e: {  	_ =	shalt  }
0x4f: {  	_ =	shalt  }
0x50: {  	_ =	shalt  }
0x51: {  	_ =	shalt  }
0x52: {  	_ =	shalt  }
0x53: {  	_ =	shalt  }
0x54: {  	_ =	shalt  }
0x55: {  	_ =	shalt  }
0x56: {  	_ =	shalt  }
0x57: {  	_ =	shalt  }
0x58: {  	_ =	shalt  }
0x59: {  	_ =	shalt  }
0x5a: {  	_ =	shalt  }
0x5b: {  	_ =	shalt  }
0x5c: {  	_ =	shalt  }
0x5d: {  	_ =	shalt  }
0x5e: {  	_ =	shalt  }
0x5f: {  	_ =	shalt  }
0x60: {  	_ =	shalt  }
0x61: {  	_ =	shalt  }
0x62: {  	_ =	shalt  }
0x63: {  	_ =	shalt  }
0x64: {  	_ =	shalt  }
0x65: {  	_ =	shalt  }
0x66: {  	_ =	shalt  }
0x67: {  	_ =	shalt  }
0x68: {  	_ =	shalt  }
0x69: {  	_ =	shalt  }
0x6a: {  	_ =	shalt  }
0x6b: {  	_ =	shalt  }
0x6c: {  	_ =	shalt  }
0x6d: {  	_ =	shalt  }
0x6e: {  	_ =	shalt  }
0x6f: {  	_ =	shalt  }
0x70: {  	_ =	shalt  }
0x71: {  	_ =	shalt  }
0x72: {  	_ =	shalt  }
0x73: {  	_ =	shalt  }
0x74: {  	_ =	shalt  }
0x75: {  	_ =	shalt  }
0x76: {  	_ =	shalt  }
0x77: {  	_ =	shalt  }
0x78: {  	_ =	shalt  }
0x79: {  	_ =	shalt  }
0x7a: {  	_ =	shalt  }
0x7b: {  	_ =	shalt  }
0x7c: {  	_ =	shalt  }
0x7d: {  	_ =	shalt  }
0x7e: {  	_ =	shalt  }
0x7f: {  	_ =	shalt  }
0x80: {  	_ =	shalt  }
0x81: {  	_ =	shalt  }
0x82: {  	_ =	shalt  }
0x83: {  	_ =	shalt  }
0x84: {  	_ =	shalt  }
0x85: {  	_ =	shalt  }
0x86: {  	_ =	shalt  }
0x87: {  	_ =	shalt  }
.Lfunc_end0:
.L_simem_size_0:
called_computation_lowered:
.L_overlay_start_0:
0x88: {  	s2 =	sld [smem:$0x3FD9]  }
0x89: {  	s3 =	sld [smem:$0x3FFE];
	_ =	sdelay $0x1  }
0x8a: {  	s1 =	srdreg.scid  }
0x8b: {  	s0 =	sand.u32 $0x1, s1  }
0x8c: {  	s17 =	sshll.u32 s0, $0xA;
	s2 =	sadd.s32 s3, s2  }
0x8d: {  	s2 =	sadd.s32 s2, s17  }
0x8e: {  	[smem:$0x3FC2] =	sst s2  }
0x8f: {  	_ = 	snop  }
0x90: {  	s2 =	sld [smem:$0x3FC8]  }
0x91: {  	s18 =	sld [smem:$0x3FD0];
	(tm) =	ssettm $0x1  }
0x92: {  	s4 =	sld [smem:$0x3FFB];
	_ =	sdelay $0x3  }
0x93: {  	_ =	strace s4  }
0x94: {  	s4 =	sld [smem:$0x3FFC];
	_ =	sdelay $0x3  }
0x95: {  	_ =	strace s4  }
0x96: {  	s4 =	sld [smem:$0x3FFD];
	_ =	sdelay $0x3  }
0x97: {  	_ =	strace s4  }
0x98: {  	_ =	strace $0x8FFFFFFF  }
0x99: {  	s19 =	sld [smem:$0x3FDB];
	_ =	sdelay $0x1  }
0x9a: {  	s5 =	simm.s32 $_scs_section_size  }
0x9b: {  	s6 =	simm.s32 $_size__tile_overlayer_lowered;
	s7 =	simm.s32 $_tile_overlayer_lowered  }
0x9c: {  	s22 =	simm.s32 $0x1BFF;
	s21 =	sshll.u32 s7, $0x1;
	s4 =	sadd.s32 s5, s19  }
0x9d: {  	s8 =	simm.s32 $0x0;
	s20 =	sshll.u32 s6, $0x1;
	s6 =	sadd.s32 s21, s4  }
0x9e: {  	[timem:s8], [sflag:s22] =	dma.local [hbm:s6], s20  }
0x9f: {  	_ =	swait.ge [sflag:s22], s20  }
0xa0: {  	s5 =	ssub.s32 $0x0, s20;
	[sflag:s22] =	ssyncset.done $0x0  }
0xa1: {  	[sflag:s22] =	ssyncadd.s32 s5;
	_ =	sdelay $0x1  }
0xa2: {  	s23 =	simm.s32 $0x1B8B  }
0xa3: {  	_ =	swait.ge [sflag:s23], $0x1  }
0xa4: {  	[sflag:s23] =	ssyncset.done $0x0  }
0xa5: {  	s25 =	simm.s32 $0x1B8E;
	s24 =	sld [smem:$0x3FFE];
	[sflag:s23] =	ssyncadd.s32 $0xFFFFFFFF  }
0xa6: {  	s26 =	simm.s32 $execute0_lowered;
	[smem:$0x3FD2] =	sst s25  }
0xa7: {  	s6 =	sshll.u32 s26, $0x1;
	_ =	strace $0x80000046;
	[dreg:$0x1] =	wrdreg $0xFFFFFFFF  }
0xa8: {  	s28 =	simm.s32 $_size_execute0_lowered;
	s4 =	sadd.s32 s4, s6;
	[dreg:$0x0] =	wrdreg $0x0  }
0xa9: {  	s6 =	sshll.u32 s28, $0x1;
	[dreg:$0x2] =	wrdreg s4  }
0xaa: {  	[dreg:$0x3] =	wrdreg s6  }
0xab: {  	[dreg:$0x4] =	wrdreg $0xC0  }
0xac: {  	_ =	task [dreg:s8], $0x5FFFF  }
0xad: {  	[dreg:$0x1] =	wrdreg $0xFFFFFFFF  }
0xae: {  	[dreg:$0x0] =	wrdreg $0x60  }
0xaf: {  	[dreg:$0x2] =	wrdreg s2  }
0xb0: {  	[dreg:$0x3] =	wrdreg s24  }
0xb1: {  	[dreg:$0x4] =	wrdreg s18  }
0xb2: {  	[dreg:$0x5] =	wrdreg $0x90000  }
0xb3: {  	[dreg:$0x6] =	wrdreg $0x9  }
0xb4: {  	_ =	task.clear_ibuf [dreg:s8], $0x7FFFF;
	_ =	strace $0x90000046  }
0xb5: {  	s29 =	simm.s32 $0x9;
	_ =	strace $0x8000004B  }
0xb6: {  	_ =	swait.ge [sflag:s29], $0x1  }
0xb7: {  	[sflag:s29] =	ssyncadd.s32 $0xFFFFFFFF  }
0xb8: {  	_ =	strace $0x9000004B  }
0xb9: {  	_ =	sfence  }
0xba: {  	s30 =	sld [smem:$0x0];
	_ =	sdelay $0x2  }
0xbb: {  	s31 =	sshll.u32 s1, $0xD;
	s1 =	sshrl.u32 s1, $0x2  }
0xbc: {  	s3 =	sand.u32 $0x4000, s31;
	s1 =	sadd.s32 s1, s30  }
0xbd: {  	s0 =	sor.u32 s3, s0;
	s1 =	sshll.u32 s1, $0x11  }
0xbe: {  	s0 =	sor.u32 s1, s0  }
0xbf: {  	s0 =	sadd.s32 $0x8F2B, s0  }
0xc0: {  	[sflag:s0] =	ssyncadd.remote.s32 $0x1  }
0xc1: {  	_ =	sfence.sel $0xFFFF  }
0xc2: {  	[dreg:$0x0] =	wrdreg $0xFFFFFFFF;
	(pc) =	sbr.abs _section_cstart, $3  }
0xc3: {  	[dreg:$0x1] =	wrdreg $0xFFFFFFFF  }
0xc4: {  	_ =	task.clear_ibuf [dreg:s8], $0x2FFFF;
	_ =	strace $0x9FFFFFFF  }
0xc5: {  	(tm) =	ssettm $0x7FFFFFFF  }
tec
execute0_lowered:
.L_overlay_start_1:
0x0: {  	(tag) =	ssettag $0x1  }
0x1: {  	s1 =	rddreg [dreg:$0x0]  }
0x2: {  	s6 =	rddreg [dreg:$0x1]  }
0x3: {  	s9 =	rddreg [dreg:$0x2]  }
0x4: {  	s2 =	rddreg [dreg:$0x3]  }
0x5: {  	s0 =	rddreg [dreg:$0x4]  }
0x6: {  	s3 =	simm.s32 $0x0;
	s15 =	stileid.u32;
	s5 =	srdreg.scid  }
0x7: {  	s18 =	simm.s32 $0x3;
	s20 =	simm.s32 $0x1;
	s7 =	smul.u32 $0x13800, s15  }
0x8: {  	s21 =	simm.s32 $0x6800;
	[smem:$0x7FF] =	sst s3;
	s11 =	smul.u32 $0x271000, s15  }
0x9: {  	s4 =	sshll.u32 s15, $0xB;
	s22 =	sand.u32 $0x1, s5;
	s14 =	smul.u32 $0x4E000, s15  }
0xa: {  	s19 =	sadd.s32 $0x138000, s2;
	p0 =	sne.s32 s15, $0x0;
	s16 =	sshll.u32 s15, $0x6  }
0xb: {  	s15 =	simm.s32 $0x4000;
	_ =	strace $0x80000047;
	s8 =	sadd.s32 s4, s6  }
0xc: {  	s10 =	ssub.s32 $0x2, s22;
	s13 =	sshll.u32 s22, $0xA;
	s26 =	smul.u32 $0x138800, s22  }
0xd: {  	s16 =	sor.u32 $0x1C03, s16;
	s19 =	sshrl.u32 @!p0 s19, $0x3;
	s22 =	simm.s32 $0x50  }
0xe: {  	s23 =	sshrl.u32 s7, $0x3;
	s12 =	sshrl.u32 s10, $0x1;
	s24 =	sor.u32 s13, s11  }
0xf: {  	s25 =	sshrl.u32 s14, $0x2;
	s13 =	simm.s32 $0x400;
	s14 =	simm.s32 $0x800  }
0x10: {  	s5 =	sadd.s32 s23, s6;
	s10 =	ssub.s32 s10, s12;
	s11 =	sshrl.u32 s24, $0x3  }
0x11: {  	s17 =	sadd.s32 s25, s2;
	s6 =	sadd.s32 $0x2FA00, s6;
	s28 =	sadd.s32 s7, s26  }
0x12: {  	s7 =	sadd.s32 $0xA00, s8;
	s30 =	sshrl.u32 s26, $0x3;
	s31 =	sadd.s32 $0x5000, s24  }
0x13: {  	s12 =	sadd.s32 $0xA000, s24;
	s23 =	simm.s32 $0x4;
	s24 =	simm.s32 $0x2  }
0x14: {  	s25 =	simm.s32 $0x3E00;
	s26 =	simm.s32 $0x0;
	s4 =	sadd.s32 s1, s11  }
0x15: {  	s5 =	sadd.s32 $0x8A00, s5;
	s29 =	sshrl.u32 s28, $0x3;
	s10 =	smax.u32 s10, $0x1  }
0x16: {  	s11 =	sshrl.u32 s31, $0x3;
	s8 =	sadd.s32 s9, s29;
	s9 =	sadd.s32 s9, s30  }
0x17: {  	s17 =	sshrl.u32 s17, $0x3;
	s11 =	sadd.s32 s11, s1;
	s9 =	sadd.s32 $0x27000, s9  }
.LBB2_1:
0x18: {  	_ =	strace $0x80000048  }
0x19: {  	[tilespmem:s15], [sflag:$0x1] =	stream.strided.gather [hbm4b:s4+s13], $0x2800, s14, s13, $0x200038;
	[tilespmem:$0x1C880] =	vst v63  }
0x1a: {  	[spmem:s17], [sflag:s16] =	dma.local [hbm:s5], $0x2700  }
0x1b: {  	_ =	swait.ge [sflag:s18], $0x2700  }
0x1c: {  	[sflag:s18] =	ssyncset.done $0x0  }
0x1d: {  	s28 =	simm.s32 @!p0 $0x3;
	[sflag:s18] =	ssyncadd.s32 $0xFFFFD900  }
0x1e: {  	[spmem:s19], [sflag:s16] =	dma.local @!p0 [hbm:s6], $0x100  }
0x1f: {  	_ =	swait.ge @!p0 [sflag:s28], $0x100  }
0x20: {  	[sflag:s28] =	ssyncset.done @!p0 $0x0  }
0x21: {  	[sflag:s28] =	ssyncadd.s32 @!p0 $0xFFFFFF00  }
0x22: {  	[tilespmem:s3], [sflag:$0x3] =	stream.linear.gather [hbm4b:s7+s3], $0x3E80, $0x200038;
	[tilespmem:$0x1C880] =	vst v63  }
0x23: {  	_ =	swait.ge [sflag:s18], $0x3E80  }
0x24: {  	[sflag:s18] =	ssyncset.done $0x0  }
0x25: {  	[sflag:s18] =	ssyncadd.s32 $0xFFFFC180  }
0x26: {  	[bflag:$0x0] =	sbarrier.arrive $0xFFFF  }
0x27: {  	_ =	strace $0x90000048  }
0x28: {  	_ =	strace $0x80000049  }
0x29: {  	_ =	swait.ge [sflag:s20], $0x2800  }
0x2a: {  	[sflag:s20] =	ssyncset.done $0x0  }
0x2b: {  	s28 =	sadd.s32 $0x0, s11;
	[sflag:s20] =	ssyncadd.s32 $0xFFFFD800  }
0x2c: {  	[tilespmem:s21], [sflag:$0x2] =	stream.strided.gather [hbm4b:s28+s13], $0x2800, s14, s13, $0x200038;
	[tilespmem:$0x1C880] =	vst v63  }
0x2d: {  	_ = 	snop  }
0x2e: {  	[spmem:s2] =	stream.indirect.scatter.add.f32 [tilespmem:s15], [sflag:$0x4], $0x80, s3, s22, $0x2000b8;
	[tilespmem:$0x1C880] =	vst v63  }
0x2f: {  	_ =	swait.ge [sflag:s23], $0x2800  }
0x30: {  	[sflag:s23] =	ssyncset.done $0x0  }
0x31: {  	[sflag:s23] =	ssyncadd.s32 $0xFFFFD800  }
0x32: {  	_ =	swait.ge [sflag:s24], $0x2800  }
0x33: {  	s28 =	sshrl.u32 s12, $0x3;
	[sflag:s24] =	ssyncset.done $0x0  }
0x34: {  	s28 =	sadd.s32 s1, s28;
	[sflag:s24] =	ssyncadd.s32 $0xFFFFD800  }
0x35: {  	[tilespmem:s15], [sflag:$0x1] =	stream.strided.gather [hbm4b:s28+s13], $0x2800, s14, s13, $0x200038;
	[tilespmem:$0x1C880] =	vst v63  }
0x36: {  	s28 =	simm.s32 $0x80  }
0x37: {  	[spmem:s2] =	stream.indirect.scatter.add.f32 [tilespmem:s21], [sflag:$0x3], $0x80, s28, s22, $0x2000b8;
	[tilespmem:$0x1C880] =	vst v63  }
0x38: {  	s29 =	simm.s32 $0x0;
	_ =	swait.ge [sflag:s18], $0x2800  }
0x39: {  	s30 =	smov.u32 s12;
	s28 =	simm.s32 $0x1400;
	[sflag:s18] =	ssyncset.done $0x0  }
.LBB2_2:
0x3a: {  	[sflag:s18] =	ssyncadd.s32 $0xFFFFD800;
	s29 =	sadd.s32 $0x100, s29;
	s30 =	sadd.s32 $0xA000, s30  }
0x3b: {  	p1 =	sne.s32 s28, $0x4C400;
	s31 =	smov.u32 s28;
	s28 =	sadd.s32 $0x1400, s28  }
0x3c: {  	_ =	swait.ge [sflag:s20], $0x2800  }
0x3d: {  	[sflag:s20] =	ssyncset.done $0x0  }
0x3e: {  	s31 =	sadd.s32 s31, s11;
	[sflag:s20] =	ssyncadd.s32 $0xFFFFD800  }
0x3f: {  	[tilespmem:s21], [sflag:$0x2] =	stream.strided.gather [hbm4b:s31+s13], $0x2800, s14, s13, $0x200038;
	[tilespmem:$0x1C880] =	vst v63  }
0x40: {  	_ = 	snop  }
0x41: {  	[spmem:s2] =	stream.indirect.scatter.add.f32 [tilespmem:s15], [sflag:$0x4], $0x80, s29, s22, $0x2000b8;
	[tilespmem:$0x1C880] =	vst v63  }
0x42: {  	_ =	swait.ge [sflag:s23], $0x2800  }
0x43: {  	[sflag:s23] =	ssyncset.done $0x0  }
0x44: {  	[sflag:s23] =	ssyncadd.s32 $0xFFFFD800  }
0x45: {  	_ =	swait.ge [sflag:s24], $0x2800  }
0x46: {  	s31 =	sshrl.u32 s30, $0x3;
	[sflag:s24] =	ssyncset.done $0x0  }
0x47: {  	s31 =	sadd.s32 s1, s31;
	[sflag:s24] =	ssyncadd.s32 $0xFFFFD800  }
0x48: {  	[tilespmem:s15], [sflag:$0x1] =	stream.strided.gather [hbm4b:s31+s13], $0x2800, s14, s13, $0x200038;
	[tilespmem:$0x1C880] =	vst v63  }
.Ltmp0:
0x49: {  	_ = 	snop;
	(pc) =	sbr.rel @p1 .LBB2_2-.Ltmp0, $4  }
0x4a: {  	s31 =	sadd.s32 $0x80, s29  }
0x4b: {  	[spmem:s2] =	stream.indirect.scatter.add.f32 [tilespmem:s21], [sflag:$0x3], $0x80, s31, s22, $0x2000b8;
	[tilespmem:$0x1C880] =	vst v63  }
0x4c: {  	_ =	swait.ge [sflag:s18], $0x2800  }
0x4d: {  	[sflag:s18] =	ssyncset.done $0x0  }
0x4e: {  	[sflag:s18] =	ssyncadd.s32 $0xFFFFD800  }
0x4f: {  	_ =	swait.ge [sflag:s20], $0x2800  }
0x50: {  	[sflag:s20] =	ssyncset.done $0x0  }
0x51: {  	[sflag:s20] =	ssyncadd.s32 $0xFFFFD800  }
0x52: {  	[spmem:s2] =	stream.indirect.scatter.add.f32 [tilespmem:s15], [sflag:$0x4], $0x80, s25, s22, $0x2000b8;
	[tilespmem:$0x1C880] =	vst v63  }
0x53: {  	_ =	swait.ge [sflag:s23], $0x2800  }
0x54: {  	[sflag:s23] =	ssyncset.done $0x0  }
0x55: {  	[sflag:s23] =	ssyncadd.s32 $0xFFFFD800  }
0x56: {  	[bflag:$0x0] =	sbarrier.arrive $0xFFFF  }
0x57: {  	_ =	strace $0x90000049  }
0x58: {  	_ =	strace $0x8000004A  }
0x59: {  	[hbm:s8], [sflag:s16] =	dma.local [spmem:s17], $0x2700  }
0x5a: {  	_ =	swait.ge [sflag:s18], $0x2700  }
0x5b: {  	s26 =	sadd.s32 $0x1, s26;
	[sflag:s18] =	ssyncset.done $0x0  }
0x5c: {  	p1 =	sne.s32 s26, s10;
	[sflag:s18] =	ssyncadd.s32 $0xFFFFD900  }
0x5d: {  	[hbm:s9], [sflag:s16] =	dma.local @!p0 [spmem:s19], $0x100  }
.Ltmp1:
0x5e: {  	s28 =	simm.s32 @!p0 $0x3;
	(pc) =	sbr.rel @p1 .LBB2_1-.Ltmp1, $4  }
0x5f: {  	_ =	swait.ge @!p0 [sflag:s28], $0x100  }
0x60: {  	[sflag:s28] =	ssyncset.done @!p0 $0x0  }
0x61: {  	[sflag:s28] =	ssyncadd.s32 @!p0 $0xFFFFFF00  }
0x62: {  	_ =	strace $0x9000004A  }
0x63: {  	_ =	sfence.sel $0x180000  }
0x64: {  	[bflag:$0x0] =	sbarrier.arrive $0xFFFF  }
0x65: {  	_ =	strace $0x90000047  }
0x66: {  	s0 =	sadd.s32 @!p0 $0x100000, s0;
	[bflag:$0x2] =	sbarrier.arrive $0xFFFF  }
0x67: {  	[sflag:s0] =	ssyncadd.tile.s32 @!p0 $0x1;
	_ =	shalt  }
.Lfunc_end2:
_tile_overlayer_lowered:
.L_overlay_start_2:
0x68: {  	(tag) =	ssettag $0x2  }
0x69: {  	s0 =	rddreg [dreg:$0x0];
	s2 =	stileid.u32  }
0x6a: {  	s1 =	rddreg [dreg:$0x1];
	p0 =	sne.s32 s2, $0x0  }
0x6b: {  	s3 =	rddreg [dreg:$0x2];
	[bflag:$0x3] =	sbarrier.arrive $0xFFFF;
	s2 =	simm.s32 @!p0 $0x1C03  }
0x6c: {  	[timem:s3], [sflag:s2] =	dma.local @!p0 [hbm:s0], s1  }
0x6d: {  	s0 =	simm.s32 @!p0 $0x3  }
0x6e: {  	_ =	swait.ge @!p0 [sflag:s0], s1  }
0x6f: {  	s1 =	ssub.s32 @!p0 $0x0, s1;
	[sflag:s0] =	ssyncset.done @!p0 $0x0  }
0x70: {  	[sflag:s0] =	ssyncadd.s32 @!p0 s1  }
0x71: {  	[bflag:$0x3] =	sbarrier.arrive $0xFFFF  }
0x72: {  	_ =	shalt  }

</sc_bundles>
